<compile_context>
chip_gen: v7x
topology: tpu7x:2x2x1
jax: 0.10.2.dev20260603
libtpu: 0.0.44.dev20260713+nightly
codegen_flags: <defaults>
</compile_context>

<pallas_src>
import functools

import jax
import jax.numpy as jnp
from jax import lax
from jax.experimental import pallas as pl
from jax.experimental.pallas import tpu as pltpu
from jax.experimental.pallas import tpu_sc as plsc

_B = 2
_N = 8192
_C = 128
_NPOINT = 2048
_NSAMPLE = 32
_ROWS = _N // 128


def _fps_body(npoint, x_ref, idx_ref, cx_ref, cy_ref, cz_ref):
    iota = (lax.broadcasted_iota(jnp.int32, (_ROWS, 128), 0) * 128
            + lax.broadcasted_iota(jnp.int32, (_ROWS, 128), 1))
    xs = [[x_ref[b, c] for c in range(3)] for b in range(_B)]

    def body(i, carry):
        fars, dists = carry
        new_fars = []
        new_dists = []
        for b in range(_B):
            farv = fars[b]
            x, y, z = xs[b]
            mask = iota == farv
            cx = jnp.sum(jnp.where(mask, x, 0.0), keepdims=True)
            cy = jnp.sum(jnp.where(mask, y, 0.0), keepdims=True)
            cz = jnp.sum(jnp.where(mask, z, 0.0), keepdims=True)
            idx_ref[b, pl.ds(i, 1), :] = farv
            cx_ref[b, pl.ds(i, 1), :] = cx
            cy_ref[b, pl.ds(i, 1), :] = cy
            cz_ref[b, pl.ds(i, 1), :] = cz
            d = (x - cx) ** 2 + (y - cy) ** 2 + (z - cz) ** 2
            nd = jnp.minimum(dists[b], d)
            m = jnp.max(nd, keepdims=True)
            cand = jnp.where(nd == m, iota, jnp.int32(2**31 - 1))
            nf = jnp.min(cand, keepdims=True)
            new_fars.append(nf)
            new_dists.append(nd)
        return tuple(new_fars), tuple(new_dists)

    far0 = jnp.zeros((1, 1), jnp.int32)
    d0 = jnp.full((_ROWS, 128), 1e10, jnp.float32)
    lax.fori_loop(0, npoint, body, ((far0, far0), (d0, d0)))


def _fps_pallas(xt, npoint):
    out_shapes = (
        jax.ShapeDtypeStruct((_B, npoint, 1), jnp.int32),
        jax.ShapeDtypeStruct((_B, npoint, 1), jnp.float32),
        jax.ShapeDtypeStruct((_B, npoint, 1), jnp.float32),
        jax.ShapeDtypeStruct((_B, npoint, 1), jnp.float32),
    )
    return pl.pallas_call(
        functools.partial(_fps_body, npoint),
        out_shape=out_shapes,
    )(xt)


_KCH = 16


def _knn_body(cen_ref, cn_ref, xyzt_ref, pn_ref, o_ref):
    a = cen_ref[0]
    bm = xyzt_ref[0]
    d2f = (cn_ref[0]
           - 2.0 * jnp.dot(a, bm, preferred_element_type=jnp.float32)
           + pn_ref[0])
    iotaf = lax.broadcasted_iota(jnp.int32, (8, _N), 1).astype(jnp.float32)
    lane32 = lax.broadcasted_iota(jnp.int32, (8, _NSAMPLE), 1)
    big = jnp.float32(3e38)

    def step(s, carry):
        d2s, accs = carry
        nd2, nacc = [], []
        for g in range(_KCH // 8):
            d2 = d2s[g]
            m = jnp.min(d2, axis=1, keepdims=True)
            eq = d2 == m
            j = jnp.min(jnp.where(eq, iotaf, big), axis=1, keepdims=True)
            nacc.append(jnp.where(lane32 == s, j, accs[g]))
            nd2.append(jnp.where(eq, big, d2))
        return tuple(nd2), tuple(nacc)

    d2s0 = tuple(d2f[g * 8:(g + 1) * 8] for g in range(_KCH // 8))
    acc0 = tuple(jnp.zeros((8, _NSAMPLE), jnp.float32)
                 for _ in range(_KCH // 8))
    _, accs = lax.fori_loop(0, _NSAMPLE, step, (d2s0, acc0))
    o_ref[0] = jnp.concatenate(accs, axis=0).astype(jnp.int32)


def _knn_pallas(new_xyz, xyz):
    cen8 = jnp.concatenate(
        [new_xyz, jnp.zeros((_B, _NPOINT, 5), jnp.float32)], axis=-1)
    cn = jnp.sum(new_xyz ** 2, axis=-1, keepdims=True)
    xyzt = jnp.concatenate(
        [xyz.transpose(0, 2, 1), jnp.zeros((_B, 5, _N), jnp.float32)], axis=1)
    pn = jnp.sum(xyz ** 2, axis=-1)[:, None, :]
    grid = (_B, _NPOINT // _KCH)
    return pl.pallas_call(
        _knn_body,
        grid=grid,
        in_specs=[
            pl.BlockSpec((1, _KCH, 8), lambda b, c: (b, c, 0)),
            pl.BlockSpec((1, _KCH, 1), lambda b, c: (b, c, 0)),
            pl.BlockSpec((1, 8, _N), lambda b, c: (b, 0, 0)),
            pl.BlockSpec((1, 1, _N), lambda b, c: (b, 0, 0)),
        ],
        out_specs=pl.BlockSpec((1, _KCH, _NSAMPLE), lambda b, c: (b, c, 0)),
        out_shape=jax.ShapeDtypeStruct((_B, _NPOINT, _NSAMPLE), jnp.int32),
    )(cen8, cn, xyzt, pn)


def _pmat_body(x_ref, w1_ref, o_ref):
    o_ref[0] = jnp.dot(x_ref[0], w1_ref[...],
                       preferred_element_type=jnp.float32)


def _pmat_pallas(x131, W1):
    rows = 1024
    grid = (_B, _N // rows)
    return pl.pallas_call(
        _pmat_body,
        grid=grid,
        in_specs=[
            pl.BlockSpec((1, rows, _C + 3), lambda b, c: (b, c, 0)),
            pl.BlockSpec((_C + 3, _C), lambda b, c: (0, 0)),
        ],
        out_specs=pl.BlockSpec((1, rows, _C), lambda b, c: (b, c, 0)),
        out_shape=jax.ShapeDtypeStruct((_B, _N, _C), jnp.float32),
    )(x131, W1)


_GROWS = _B * _NPOINT * _NSAMPLE
_NW = 32
_RPW = _GROWS // _NW
_GCHUNK = 512
_GNCH = _RPW // _GCHUNK


def _gather_body(p_hbm, idx_hbm, out_hbm, idx_v, rows_v, sem):
    wid = lax.axis_index("s") * 2 + lax.axis_index("c")
    base = wid * _RPW

    def chunk(k, carry):
        off = pl.multiple_of(base + k * _GCHUNK, _GCHUNK)
        pltpu.sync_copy(idx_hbm.at[pl.ds(off, _GCHUNK)], idx_v)
        pltpu.async_copy(p_hbm.at[idx_v], rows_v, sem).wait()
        pltpu.sync_copy(rows_v, out_hbm.at[pl.ds(off, _GCHUNK)])
        return carry

    lax.fori_loop(0, _GNCH, chunk, 0)


def _gather_pallas(p_flat, flat_idx):
    mesh = plsc.VectorSubcoreMesh(core_axis_name="c", subcore_axis_name="s")
    return pl.kernel(
        _gather_body,
        out_type=jax.ShapeDtypeStruct((_GROWS, _C), jnp.float32),
        mesh=mesh,
        scratch_types=[
            pltpu.VMEM((_GCHUNK,), jnp.int32),
            pltpu.VMEM((_GCHUNK, _C), jnp.float32),
            pltpu.SemaphoreType.DMA,
        ],
    )(p_flat, flat_idx)


def _mlp_body(ch, g_ref, cen8_ref, w1a_ref, b1_ref, w2_ref, b2_ref, o_ref):
    corr = jnp.dot(cen8_ref[...], w1a_ref[...],
                   preferred_element_type=jnp.float32)
    t = b1_ref[...] - corr
    h = g_ref[...].reshape(ch, _NSAMPLE, _C) + t[:, None, :]
    h = jnp.maximum(h, 0.0).reshape(ch * _NSAMPLE, _C)
    h = jnp.dot(h, w2_ref[...], preferred_element_type=jnp.float32)
    h = jnp.maximum(h + b2_ref[...], 0.0)
    o_ref[...] = jnp.max(h.reshape(ch, _NSAMPLE, 256), axis=1)


def _mlp_pallas(g, cen8, W1, b1, W2, b2):
    ch = 128
    grid = (_B * _NPOINT // ch,)
    w1a8 = jnp.concatenate(
        [W1[:3], jnp.zeros((5, _C), jnp.float32)], axis=0)
    return pl.pallas_call(
        functools.partial(_mlp_body, ch),
        grid=grid,
        in_specs=[
            pl.BlockSpec((ch * _NSAMPLE, _C), lambda c: (c, 0)),
            pl.BlockSpec((ch, 8), lambda c: (c, 0)),
            pl.BlockSpec((8, _C), lambda c: (0, 0)),
            pl.BlockSpec((1, _C), lambda c: (0, 0)),
            pl.BlockSpec((_C, 256), lambda c: (0, 0)),
            pl.BlockSpec((1, 256), lambda c: (0, 0)),
        ],
        out_specs=pl.BlockSpec((ch, 256), lambda c: (c, 0)),
        out_shape=jax.ShapeDtypeStruct((_B * _NPOINT, 256), jnp.float32),
    )(g, cen8, w1a8, b1.reshape(1, _C), W2, b2.reshape(1, 256))


def kernel(xyz, features, W1, b1, W2, b2):
    xt = xyz.transpose(0, 2, 1).reshape(_B, 3, _ROWS, 128)
    idx, cx, cy, cz = _fps_pallas(xt, _NPOINT)
    new_xyz = jnp.concatenate([cx, cy, cz], axis=-1)

    nidx = _knn_pallas(new_xyz, xyz)

    x131 = jnp.concatenate([xyz, features], axis=-1)
    p = _pmat_pallas(x131, W1).reshape(_B * _N, _C)

    flat_idx = (nidx + (jnp.arange(_B, dtype=jnp.int32) * _N)[:, None, None])
    g = _gather_pallas(p, flat_idx.reshape(_GROWS))

    cen8 = jnp.concatenate(
        [new_xyz, jnp.zeros((_B, _NPOINT, 5), jnp.float32)], axis=-1)
    new_feat = _mlp_pallas(g, cen8.reshape(_B * _NPOINT, 8), W1, b1, W2, b2)
    return new_xyz, new_feat.reshape(_B, _NPOINT, 256)

# --- scband reference (transcript-rebuilt; emitter-appended) ---
"""Pipeline reference for scband-point-net2-down-67997922230566 (READ-ONLY COPY).

The authoritative reference and input builder live on the scoring server;
editing this copy changes nothing except your own understanding.
"""

import jax, jax.numpy as jnp
import numpy as np

NPOINT = 2048
NSAMPLE = 32

def fps(xyz, npoint):
    N = xyz.shape[0]
    def body(i, state):
        dists, farthest, idxs = state
        idxs = idxs.at[i].set(farthest)
        centroid = xyz[farthest]
        d = jnp.sum((xyz - centroid) ** 2, axis=-1)
        dists = jnp.minimum(dists, d)
        farthest = jnp.argmax(dists).astype(jnp.int32)
        return (dists, farthest, idxs)
    init = (jnp.full((N,), 1e10, dtype=xyz.dtype),
            jnp.array(0, dtype=jnp.int32),
            jnp.zeros((npoint,), dtype=jnp.int32))
    _, _, idxs = jax.lax.fori_loop(0, npoint, body, init)
    return idxs

def setup_inputs(seed: int = 0):
    key = jax.random.key(seed)
    k1, k2, k3, k4 = jax.random.split(key, 4)
    B, N, C = 2, 8192, 128
    xyz = jax.random.uniform(k1, (B, N, 3), dtype=jnp.float32)
    features = jax.random.normal(k2, (B, N, C), dtype=jnp.float32)
    W1 = jax.random.normal(k3, (C + 3, 128), dtype=jnp.float32) * 0.05
    b1 = jnp.zeros((128,), dtype=jnp.float32)
    W2 = jax.random.normal(k4, (128, 256), dtype=jnp.float32) * 0.05
    b2 = jnp.zeros((256,), dtype=jnp.float32)
    return {"xyz": xyz, "features": features, "W1": W1, "b1": b1, "W2": W2, "b2": b2}

def reference(xyz, features, W1, b1, W2, b2):
    def _single(xyz_b, feat_b):
        # Farthest-point sampling (indices are non-differentiable constants)
        idx = fps(jax.lax.stop_gradient(xyz_b), NPOINT)
        new_xyz = xyz_b[idx]
        # kNN grouping: squared distances centers -> all points, top-k nearest
        d2 = (jnp.sum(new_xyz ** 2, axis=-1)[:, None]
              - 2.0 * (new_xyz @ xyz_b.T)
              + jnp.sum(xyz_b ** 2, axis=-1)[None, :])
        _, nidx = jax.lax.top_k(-d2, NSAMPLE)
        grouped_xyz = xyz_b[nidx] - new_xyz[:, None, :]
        grouped_feat = feat_b[nidx]
        g = jnp.concatenate([grouped_xyz, grouped_feat], axis=-1)
        # shared pointwise MLP (1x1 conv equivalent) + max pool over neighborhood
        h = jax.nn.relu(g @ W1 + b1)
        h = jax.nn.relu(h @ W2 + b2)
        new_feat = jnp.max(h, axis=1)
        return new_xyz, new_feat
    new_xyz, new_feat = jax.vmap(_single)(xyz, features)
    return new_xyz, new_feat

if __name__ == "__main__":
    import jax
    _d = setup_inputs()
    print(jax.jit(kernel)(*tuple(_d.values())))

</pallas_src>

<mosaic_0001>
#map = affine_map<(d0, d1) -> (0, 0)>
#map1 = affine_map<(d0, d1) -> (0)>
module attributes {stable_mosaic.version = 14 : i64} {
  func.func @_gather_body(%arg0: i32, %arg1: i32, %arg2: memref<16384x128xf32, #tpu.memory_space<hbm>>, %arg3: memref<131072xi32, #tpu.memory_space<hbm>>, %arg4: memref<131072x128xf32, #tpu.memory_space<hbm>>, %arg5: memref<512xi32, #tpu.memory_space<vmem>>, %arg6: memref<512x128xf32, #tpu.memory_space<vmem>>, %arg7: memref<!tpu.dma_semaphore, #tpu.memory_space<semaphore_mem>>) attributes {dimension_semantics = [#tpu.dimension_semantics<core_parallel>, #tpu.dimension_semantics<subcore_parallel>], iteration_bounds = array<i64: 2, 16>, scalar_prefetch = 0 : i64, scratch_operands = 3 : i64, tpu.core_type = #tpu.core_type<sc_vector_subcore>, window_params = [{transform_indices = #map}, {transform_indices = #map1}, {transform_indices = #map}]} {
    %mul3A = arith.constant 2 : i32
    %mul3A_0 = arith.muli %arg1, %mul3A : i32
    %add3A = arith.addi %mul3A_0, %arg0 : i32
    %mul3A_1 = arith.constant 4096 : i32
    %mul3A_2 = arith.muli %add3A, %mul3A_1 : i32
    %scan3A = arith.constant 0 : i32
    %scan3A_3 = arith.constant 0 : i32
    %scan3A_4 = arith.constant 8 : i32
    %scan3A_5 = arith.addi %scan3A_3, %scan3A_4 : i32
    %scan3A_6 = arith.constant 1 : i32
    scf.for %scan3A_8 = %scan3A_3 to %scan3A_5 step %scan3A_6  : i32 {
      %mul3A_9 = arith.constant 512 : i32
      %mul3A_10 = arith.muli %scan3A_8, %mul3A_9 : i32
      %add3A_11 = arith.addi %mul3A_2, %mul3A_10 : i32
      %multiple_of3A = tpu.assume_multiple %add3A_11, 512 : i32
      "tpu.region"() ({
        %run_scoped3A = tpu.sem_alloc : memref<!tpu.dma_semaphore, #tpu.memory_space<semaphore_mem>>
        %dma_start3A_16 = tpu.memref_slice %arg3[%multiple_of3A] : memref<131072xi32, #tpu.memory_space<hbm>> -> memref<512xi32, #tpu.memory_space<hbm>>
        %dma_start3A_17 = tpu.memref_slice %arg3[%multiple_of3A] : memref<131072xi32, #tpu.memory_space<hbm>> -> memref<512xi32, #tpu.memory_space<hbm>>
        tpu.enqueue_dma source(%dma_start3A_17 : memref<512xi32, #tpu.memory_space<hbm>>) target(%arg5 : memref<512xi32, #tpu.memory_space<vmem>>) target_semaphore(%run_scoped3A : memref<!tpu.dma_semaphore, #tpu.memory_space<semaphore_mem>>)
        %dma_wait3A_18 = tpu.memref_slice %arg3[%multiple_of3A] : memref<131072xi32, #tpu.memory_space<hbm>> -> memref<512xi32, #tpu.memory_space<hbm>>
        %dma_wait3A_19 = tpu.memref_slice %arg3[%multiple_of3A] : memref<131072xi32, #tpu.memory_space<hbm>> -> memref<512xi32, #tpu.memory_space<hbm>>
        tpu.wait_dma2 semaphore(%run_scoped3A : memref<!tpu.dma_semaphore, #tpu.memory_space<semaphore_mem>>) src(%dma_wait3A_19 : memref<512xi32, #tpu.memory_space<hbm>>) dst(%arg5 : memref<512xi32, #tpu.memory_space<vmem>>)
        tpu.yield
      }) : () -> ()
      %dma_start3A = arith.constant 0 : i32
      %dma_start3A_12 = arith.constant 0 : i32
      %dma_start3A_13 = tpu.memref_slice %arg2[%dma_start3A, %dma_start3A_12] : memref<16384x128xf32, #tpu.memory_space<hbm>> -> memref<16384x128xf32, #tpu.memory_space<hbm>>
      tpu.enqueue_indirect_dma source(%dma_start3A_13 : memref<16384x128xf32, #tpu.memory_space<hbm>>) target(%arg6 : memref<512x128xf32, #tpu.memory_space<vmem>>) offsets(%arg5 : memref<512xi32, #tpu.memory_space<vmem>>) semaphore(%arg7 : memref<!tpu.dma_semaphore, #tpu.memory_space<semaphore_mem>>)
      %dma_wait3A = arith.constant 0 : i32
      %dma_wait3A_14 = arith.constant 0 : i32
      %dma_wait3A_15 = tpu.memref_slice %arg2[%dma_wait3A, %dma_wait3A_14] : memref<16384x128xf32, #tpu.memory_space<hbm>> -> memref<16384x128xf32, #tpu.memory_space<hbm>>
      tpu.wait_indirect_dma semaphore(%arg7 : memref<!tpu.dma_semaphore, #tpu.memory_space<semaphore_mem>>) src(%dma_wait3A_15 : memref<16384x128xf32, #tpu.memory_space<hbm>>) dst(%arg6 : memref<512x128xf32, #tpu.memory_space<vmem>>)
      "tpu.region"() ({
        %run_scoped3A = tpu.sem_alloc : memref<!tpu.dma_semaphore, #tpu.memory_space<semaphore_mem>>
        %dma_start3A_16 = arith.constant 0 : i32
        %dma_start3A_17 = tpu.memref_slice %arg4[%multiple_of3A, %dma_start3A_16] : memref<131072x128xf32, #tpu.memory_space<hbm>> -> memref<512x128xf32, #tpu.memory_space<hbm>>
        %dma_start3A_18 = arith.constant 0 : i32
        %dma_start3A_19 = tpu.memref_slice %arg4[%multiple_of3A, %dma_start3A_18] : memref<131072x128xf32, #tpu.memory_space<hbm>> -> memref<512x128xf32, #tpu.memory_space<hbm>>
        tpu.enqueue_dma source(%arg6 : memref<512x128xf32, #tpu.memory_space<vmem>>) target(%dma_start3A_19 : memref<512x128xf32, #tpu.memory_space<hbm>>) target_semaphore(%run_scoped3A : memref<!tpu.dma_semaphore, #tpu.memory_space<semaphore_mem>>)
        %dma_wait3A_20 = arith.constant 0 : i32
        %dma_wait3A_21 = tpu.memref_slice %arg4[%multiple_of3A, %dma_wait3A_20] : memref<131072x128xf32, #tpu.memory_space<hbm>> -> memref<512x128xf32, #tpu.memory_space<hbm>>
        %dma_wait3A_22 = arith.constant 0 : i32
        %dma_wait3A_23 = tpu.memref_slice %arg4[%multiple_of3A, %dma_wait3A_22] : memref<131072x128xf32, #tpu.memory_space<hbm>> -> memref<512x128xf32, #tpu.memory_space<hbm>>
        tpu.wait_dma2 semaphore(%run_scoped3A : memref<!tpu.dma_semaphore, #tpu.memory_space<semaphore_mem>>) src(%arg6 : memref<512x128xf32, #tpu.memory_space<vmem>>) dst(%dma_wait3A_23 : memref<512x128xf32, #tpu.memory_space<hbm>>)
        tpu.yield
      }) : () -> ()
    }
    %scan3A_7 = arith.constant 8 : i32
    return
  }
}

module attributes {stable_mosaic.version = 14 : i64} {
  func.func @_fps_body(%arg0: memref<2x3x64x128xf32, #tpu.memory_space<vmem>>, %arg1: memref<2x2048x1xi32, #tpu.memory_space<vmem>>, %arg2: memref<2x2048x1xf32, #tpu.memory_space<vmem>>, %arg3: memref<2x2048x1xf32, #tpu.memory_space<vmem>>, %arg4: memref<2x2048x1xf32, #tpu.memory_space<vmem>>) attributes {dimension_semantics = [], scalar_prefetch = 0 : i64, scratch_operands = 0 : i64, tpu.core_type = #tpu.core_type<tc>} {
    %iota3A = tpu.iota {dimensions = array<i32: 0>} : vector<64x128xi32>
    %mul3A = arith.constant 128 : i32
    %mul3A_0 = vector.broadcast %mul3A : i32 to vector<64x128xi32>
    %mul3A_1 = arith.muli %iota3A, %mul3A_0 : vector<64x128xi32>
    %iota3A_2 = tpu.iota {dimensions = array<i32: 1>} : vector<64x128xi32>
    %add3A = arith.addi %mul3A_1, %iota3A_2 : vector<64x128xi32>
    %get3A = arith.constant 0 : index
    %get3A_3 = arith.constant 0 : index
    %get3A_4 = arith.constant 0 : index
    %get3A_5 = arith.constant 0 : index
    %get3A_6 = vector.load %arg0[%get3A, %get3A_3, %get3A_4, %get3A_5] : memref<2x3x64x128xf32, #tpu.memory_space<vmem>>, vector<1x1x64x128xf32>
    %get3A_7 = vector.shape_cast %get3A_6 : vector<1x1x64x128xf32> to vector<64x128xf32>
    %get3A_8 = arith.constant 0 : index
    %get3A_9 = arith.constant 1 : index
    %get3A_10 = arith.constant 0 : index
    %get3A_11 = arith.constant 0 : index
    %get3A_12 = vector.load %arg0[%get3A_8, %get3A_9, %get3A_10, %get3A_11] : memref<2x3x64x128xf32, #tpu.memory_space<vmem>>, vector<1x1x64x128xf32>
    %get3A_13 = vector.shape_cast %get3A_12 : vector<1x1x64x128xf32> to vector<64x128xf32>
    %get3A_14 = arith.constant 0 : index
    %get3A_15 = arith.constant 2 : index
    %get3A_16 = arith.constant 0 : index
    %get3A_17 = arith.constant 0 : index
    %get3A_18 = vector.load %arg0[%get3A_14, %get3A_15, %get3A_16, %get3A_17] : memref<2x3x64x128xf32, #tpu.memory_space<vmem>>, vector<1x1x64x128xf32>
    %get3A_19 = vector.shape_cast %get3A_18 : vector<1x1x64x128xf32> to vector<64x128xf32>
    %get3A_20 = arith.constant 1 : index
    %get3A_21 = arith.constant 0 : index
    %get3A_22 = arith.constant 0 : index
    %get3A_23 = arith.constant 0 : index
    %get3A_24 = vector.load %arg0[%get3A_20, %get3A_21, %get3A_22, %get3A_23] : memref<2x3x64x128xf32, #tpu.memory_space<vmem>>, vector<1x1x64x128xf32>
    %get3A_25 = vector.shape_cast %get3A_24 : vector<1x1x64x128xf32> to vector<64x128xf32>
    %get3A_26 = arith.constant 1 : index
    %get3A_27 = arith.constant 1 : index
    %get3A_28 = arith.constant 0 : index
    %get3A_29 = arith.constant 0 : index
    %get3A_30 = vector.load %arg0[%get3A_26, %get3A_27, %get3A_28, %get3A_29] : memref<2x3x64x128xf32, #tpu.memory_space<vmem>>, vector<1x1x64x128xf32>
    %get3A_31 = vector.shape_cast %get3A_30 : vector<1x1x64x128xf32> to vector<64x128xf32>
    %get3A_32 = arith.constant 1 : index
    %get3A_33 = arith.constant 2 : index
    %get3A_34 = arith.constant 0 : index
    %get3A_35 = arith.constant 0 : index
    %get3A_36 = vector.load %arg0[%get3A_32, %get3A_33, %get3A_34, %get3A_35] : memref<2x3x64x128xf32, #tpu.memory_space<vmem>>, vector<1x1x64x128xf32>
    %get3A_37 = vector.shape_cast %get3A_36 : vector<1x1x64x128xf32> to vector<64x128xf32>
    %broadcast_in_dim3A = arith.constant 0 : i32
    %broadcast_in_dim3A_38 = vector.broadcast %broadcast_in_dim3A : i32 to vector<1x1xi32>
    %broadcast_in_dim3A_39 = arith.constant 1.000000e+10 : f32
    %broadcast_in_dim3A_40 = vector.broadcast %broadcast_in_dim3A_39 : f32 to vector<64x128xf32>
    %scan3A = arith.constant 0 : i32
    %scan3A_41 = arith.constant 2048 : i32
    %scan3A_42 = arith.addi %scan3A, %scan3A_41 : i32
    %scan3A_43 = arith.constant 1 : i32
    %scan3A_44:4 = scf.for %scan3A_46 = %scan3A to %scan3A_42 step %scan3A_43 iter_args(%scan3A_47 = %broadcast_in_dim3A_38, %scan3A_48 = %broadcast_in_dim3A_38, %scan3A_49 = %broadcast_in_dim3A_40, %scan3A_50 = %broadcast_in_dim3A_40) -> (vector<1x1xi32>, vector<1x1xi32>, vector<64x128xf32>, vector<64x128xf32>)  : i32 {
      %eq3A = vector.broadcast %scan3A_47 : vector<1x1xi32> to vector<64x128xi32>
      %eq3A_51 = arith.cmpi eq, %add3A, %eq3A : vector<64x128xi32>
      %jit3A = arith.constant 0.000000e+00 : f32
      %broadcast_in_dim3A_52 = vector.broadcast %jit3A : f32 to vector<64x128xf32>
      %select_n3A = arith.select %eq3A_51, %get3A_7, %broadcast_in_dim3A_52 : vector<64x128xi1>, vector<64x128xf32>
      %reduce_sum3A = vector.shape_cast %select_n3A : vector<64x128xf32> to vector<1x64x128xf32>
      %reduce_sum3A_53 = arith.constant dense<0.000000e+00> : vector<1xf32>
      %reduce_sum3A_54 = vector.multi_reduction <add>, %reduce_sum3A, %reduce_sum3A_53 [1, 2] : vector<1x64x128xf32> to vector<1xf32>
      %reduce_sum3A_55 = vector.shape_cast %reduce_sum3A_54 : vector<1xf32> to vector<1x1x1xf32>
      %reduce_sum3A_56 = vector.extract %reduce_sum3A_55[0, 0, 0] : f32 from vector<1x1x1xf32>
      %broadcast_in_dim3A_57 = vector.broadcast %reduce_sum3A_56 : f32 to vector<1x1xf32>
      %jit3A_58 = arith.constant 0.000000e+00 : f32
      %broadcast_in_dim3A_59 = vector.broadcast %jit3A_58 : f32 to vector<64x128xf32>
      %select_n3A_60 = arith.select %eq3A_51, %get3A_13, %broadcast_in_dim3A_59 : vector<64x128xi1>, vector<64x128xf32>
      %reduce_sum3A_61 = vector.shape_cast %select_n3A_60 : vector<64x128xf32> to vector<1x64x128xf32>
      %reduce_sum3A_62 = arith.constant dense<0.000000e+00> : vector<1xf32>
      %reduce_sum3A_63 = vector.multi_reduction <add>, %reduce_sum3A_61, %reduce_sum3A_62 [1, 2] : vector<1x64x128xf32> to vector<1xf32>
      %reduce_sum3A_64 = vector.shape_cast %reduce_sum3A_63 : vector<1xf32> to vector<1x1x1xf32>
      %reduce_sum3A_65 = vector.extract %reduce_sum3A_64[0, 0, 0] : f32 from vector<1x1x1xf32>
      %broadcast_in_dim3A_66 = vector.broadcast %reduce_sum3A_65 : f32 to vector<1x1xf32>
      %jit3A_67 = arith.constant 0.000000e+00 : f32
      %broadcast_in_dim3A_68 = vector.broadcast %jit3A_67 : f32 to vector<64x128xf32>
      %select_n3A_69 = arith.select %eq3A_51, %get3A_19, %broadcast_in_dim3A_68 : vector<64x128xi1>, vector<64x128xf32>
      %reduce_sum3A_70 = vector.shape_cast %select_n3A_69 : vector<64x128xf32> to vector<1x64x128xf32>
      %reduce_sum3A_71 = arith.constant dense<0.000000e+00> : vector<1xf32>
      %reduce_sum3A_72 = vector.multi_reduction <add>, %reduce_sum3A_70, %reduce_sum3A_71 [1, 2] : vector<1x64x128xf32> to vector<1xf32>
      %reduce_sum3A_73 = vector.shape_cast %reduce_sum3A_72 : vector<1xf32> to vector<1x1x1xf32>
      %reduce_sum3A_74 = vector.extract %reduce_sum3A_73[0, 0, 0] : f32 from vector<1x1x1xf32>
      %broadcast_in_dim3A_75 = vector.broadcast %reduce_sum3A_74 : f32 to vector<1x1xf32>
      %swap3A = arith.constant 0 : index
      %swap3A_76 = arith.index_cast %scan3A_46 : i32 to index
      %swap3A_77 = arith.constant 0 : index
      %swap3A_78 = vector.load %arg1[%swap3A, %swap3A_76, %swap3A_77] : memref<2x2048x1xi32, #tpu.memory_space<vmem>>, vector<1x1x1xi32>
      %swap3A_79 = vector.shape_cast %swap3A_78 : vector<1x1x1xi32> to vector<1x1xi32>
      %swap3A_80 = vector.shape_cast %scan3A_47 : vector<1x1xi32> to vector<1x1x1xi32>
      tpu.vector_store %arg1[%swap3A, %swap3A_76, %swap3A_77], %swap3A_80 {strides = array<i32>} : memref<2x2048x1xi32, #tpu.memory_space<vmem>>, vector<1x1x1xi32>,
      %swap3A_81 = arith.constant 0 : index
      %swap3A_82 = arith.index_cast %scan3A_46 : i32 to index
      %swap3A_83 = arith.constant 0 : index
      %swap3A_84 = vector.load %arg2[%swap3A_81, %swap3A_82, %swap3A_83] : memref<2x2048x1xf32, #tpu.memory_space<vmem>>, vector<1x1x1xf32>
      %swap3A_85 = vector.shape_cast %swap3A_84 : vector<1x1x1xf32> to vector<1x1xf32>
      %swap3A_86 = vector.shape_cast %broadcast_in_dim3A_57 : vector<1x1xf32> to vector<1x1x1xf32>
      tpu.vector_store %arg2[%swap3A_81, %swap3A_82, %swap3A_83], %swap3A_86 {strides = array<i32>} : memref<2x2048x1xf32, #tpu.memory_space<vmem>>, vector<1x1x1xf32>,
      %swap3A_87 = arith.constant 0 : index
      %swap3A_88 = arith.index_cast %scan3A_46 : i32 to index
      %swap3A_89 = arith.constant 0 : index
      %swap3A_90 = vector.load %arg3[%swap3A_87, %swap3A_88, %swap3A_89] : memref<2x2048x1xf32, #tpu.memory_space<vmem>>, vector<1x1x1xf32>
      %swap3A_91 = vector.shape_cast %swap3A_90 : vector<1x1x1xf32> to vector<1x1xf32>
      %swap3A_92 = vector.shape_cast %broadcast_in_dim3A_66 : vector<1x1xf32> to vector<1x1x1xf32>
      tpu.vector_store %arg3[%swap3A_87, %swap3A_88, %swap3A_89], %swap3A_92 {strides = array<i32>} : memref<2x2048x1xf32, #tpu.memory_space<vmem>>, vector<1x1x1xf32>,
      %swap3A_93 = arith.constant 0 : index
      %swap3A_94 = arith.index_cast %scan3A_46 : i32 to index
      %swap3A_95 = arith.constant 0 : index
      %swap3A_96 = vector.load %arg4[%swap3A_93, %swap3A_94, %swap3A_95] : memref<2x2048x1xf32, #tpu.memory_space<vmem>>, vector<1x1x1xf32>
      %swap3A_97 = vector.shape_cast %swap3A_96 : vector<1x1x1xf32> to vector<1x1xf32>
      %swap3A_98 = vector.shape_cast %broadcast_in_dim3A_75 : vector<1x1xf32> to vector<1x1x1xf32>
      tpu.vector_store %arg4[%swap3A_93, %swap3A_94, %swap3A_95], %swap3A_98 {strides = array<i32>} : memref<2x2048x1xf32, #tpu.memory_space<vmem>>, vector<1x1x1xf32>,
      %sub3A = vector.broadcast %broadcast_in_dim3A_57 : vector<1x1xf32> to vector<64x128xf32>
      %sub3A_99 = arith.subf %get3A_7, %sub3A : vector<64x128xf32>
      %integer_pow3A = arith.mulf %sub3A_99, %sub3A_99 : vector<64x128xf32>
      %sub3A_100 = vector.broadcast %broadcast_in_dim3A_66 : vector<1x1xf32> to vector<64x128xf32>
      %sub3A_101 = arith.subf %get3A_13, %sub3A_100 : vector<64x128xf32>
      %integer_pow3A_102 = arith.mulf %sub3A_101, %sub3A_101 : vector<64x128xf32>
      %add3A_103 = arith.addf %integer_pow3A, %integer_pow3A_102 : vector<64x128xf32>
      %sub3A_104 = vector.broadcast %broadcast_in_dim3A_75 : vector<1x1xf32> to vector<64x128xf32>
      %sub3A_105 = arith.subf %get3A_19, %sub3A_104 : vector<64x128xf32>
      %integer_pow3A_106 = arith.mulf %sub3A_105, %sub3A_105 : vector<64x128xf32>
      %add3A_107 = arith.addf %add3A_103, %integer_pow3A_106 : vector<64x128xf32>
      %min3A = arith.minimumf %scan3A_49, %add3A_107 : vector<64x128xf32>
      %reduce_max3A = vector.shape_cast %min3A : vector<64x128xf32> to vector<1x64x128xf32>
      %reduce_max3A_108 = arith.constant dense<0xFF800000> : vector<1xf32>
      %reduce_max3A_109 = vector.multi_reduction <maximumf>, %reduce_max3A, %reduce_max3A_108 [1, 2] : vector<1x64x128xf32> to vector<1xf32>
      %reduce_max3A_110 = vector.shape_cast %reduce_max3A_109 : vector<1xf32> to vector<1x1x1xf32>
      %reduce_max3A_111 = vector.extract %reduce_max3A_110[0, 0, 0] : f32 from vector<1x1x1xf32>
      %broadcast_in_dim3A_112 = vector.broadcast %reduce_max3A_111 : f32 to vector<1x1xf32>
      %eq3A_113 = vector.broadcast %broadcast_in_dim3A_112 : vector<1x1xf32> to vector<64x128xf32>
      %eq3A_114 = arith.cmpf oeq, %min3A, %eq3A_113 : vector<64x128xf32>
      %jit3A_115 = arith.constant 2147483647 : i32
      %broadcast_in_dim3A_116 = vector.broadcast %jit3A_115 : i32 to vector<64x128xi32>
      %select_n3A_117 = arith.select %eq3A_114, %add3A, %broadcast_in_dim3A_116 : vector<64x128xi1>, vector<64x128xi32>
      %reduce_min3A = vector.shape_cast %select_n3A_117 : vector<64x128xi32> to vector<1x64x128xi32>
      %reduce_min3A_118 = arith.constant dense<2147483647> : vector<1xi32>
      %reduce_min3A_119 = vector.multi_reduction <minsi>, %reduce_min3A, %reduce_min3A_118 [1, 2] : vector<1x64x128xi32> to vector<1xi32>
      %reduce_min3A_120 = vector.shape_cast %reduce_min3A_119 : vector<1xi32> to vector<1x1x1xi32>
      %reduce_min3A_121 = vector.extract %reduce_min3A_120[0, 0, 0] : i32 from vector<1x1x1xi32>
      %broadcast_in_dim3A_122 = vector.broadcast %reduce_min3A_121 : i32 to vector<1x1xi32>
      %eq3A_123 = vector.broadcast %scan3A_48 : vector<1x1xi32> to vector<64x128xi32>
      %eq3A_124 = arith.cmpi eq, %add3A, %eq3A_123 : vector<64x128xi32>
      %jit3A_125 = arith.constant 0.000000e+00 : f32
      %broadcast_in_dim3A_126 = vector.broadcast %jit3A_125 : f32 to vector<64x128xf32>
      %select_n3A_127 = arith.select %eq3A_124, %get3A_25, %broadcast_in_dim3A_126 : vector<64x128xi1>, vector<64x128xf32>
      %reduce_sum3A_128 = vector.shape_cast %select_n3A_127 : vector<64x128xf32> to vector<1x64x128xf32>
      %reduce_sum3A_129 = arith.constant dense<0.000000e+00> : vector<1xf32>
      %reduce_sum3A_130 = vector.multi_reduction <add>, %reduce_sum3A_128, %reduce_sum3A_129 [1, 2] : vector<1x64x128xf32> to vector<1xf32>
      %reduce_sum3A_131 = vector.shape_cast %reduce_sum3A_130 : vector<1xf32> to vector<1x1x1xf32>
      %reduce_sum3A_132 = vector.extract %reduce_sum3A_131[0, 0, 0] : f32 from vector<1x1x1xf32>
      %broadcast_in_dim3A_133 = vector.broadcast %reduce_sum3A_132 : f32 to vector<1x1xf32>
      %jit3A_134 = arith.constant 0.000000e+00 : f32
      %broadcast_in_dim3A_135 = vector.broadcast %jit3A_134 : f32 to vector<64x128xf32>
      %select_n3A_136 = arith.select %eq3A_124, %get3A_31, %broadcast_in_dim3A_135 : vector<64x128xi1>, vector<64x128xf32>
      %reduce_sum3A_137 = vector.shape_cast %select_n3A_136 : vector<64x128xf32> to vector<1x64x128xf32>
      %reduce_sum3A_138 = arith.constant dense<0.000000e+00> : vector<1xf32>
      %reduce_sum3A_139 = vector.multi_reduction <add>, %reduce_sum3A_137, %reduce_sum3A_138 [1, 2] : vector<1x64x128xf32> to vector<1xf32>
      %reduce_sum3A_140 = vector.shape_cast %reduce_sum3A_139 : vector<1xf32> to vector<1x1x1xf32>
      %reduce_sum3A_141 = vector.extract %reduce_sum3A_140[0, 0, 0] : f32 from vector<1x1x1xf32>
      %broadcast_in_dim3A_142 = vector.broadcast %reduce_sum3A_141 : f32 to vector<1x1xf32>
      %jit3A_143 = arith.constant 0.000000e+00 : f32
      %broadcast_in_dim3A_144 = vector.broadcast %jit3A_143 : f32 to vector<64x128xf32>
      %select_n3A_145 = arith.select %eq3A_124, %get3A_37, %broadcast_in_dim3A_144 : vector<64x128xi1>, vector<64x128xf32>
      %reduce_sum3A_146 = vector.shape_cast %select_n3A_145 : vector<64x128xf32> to vector<1x64x128xf32>
      %reduce_sum3A_147 = arith.constant dense<0.000000e+00> : vector<1xf32>
      %reduce_sum3A_148 = vector.multi_reduction <add>, %reduce_sum3A_146, %reduce_sum3A_147 [1, 2] : vector<1x64x128xf32> to vector<1xf32>
      %reduce_sum3A_149 = vector.shape_cast %reduce_sum3A_148 : vector<1xf32> to vector<1x1x1xf32>
      %reduce_sum3A_150 = vector.extract %reduce_sum3A_149[0, 0, 0] : f32 from vector<1x1x1xf32>
      %broadcast_in_dim3A_151 = vector.broadcast %reduce_sum3A_150 : f32 to vector<1x1xf32>
      %swap3A_152 = arith.constant 1 : index
      %swap3A_153 = arith.index_cast %scan3A_46 : i32 to index
      %swap3A_154 = arith.constant 0 : index
      %swap3A_155 = vector.load %arg1[%swap3A_152, %swap3A_153, %swap3A_154] : memref<2x2048x1xi32, #tpu.memory_space<vmem>>, vector<1x1x1xi32>
      %swap3A_156 = vector.shape_cast %swap3A_155 : vector<1x1x1xi32> to vector<1x1xi32>
      %swap3A_157 = vector.shape_cast %scan3A_48 : vector<1x1xi32> to vector<1x1x1xi32>
      tpu.vector_store %arg1[%swap3A_152, %swap3A_153, %swap3A_154], %swap3A_157 {strides = array<i32>} : memref<2x2048x1xi32, #tpu.memory_space<vmem>>, vector<1x1x1xi32>,
      %swap3A_158 = arith.constant 1 : index
      %swap3A_159 = arith.index_cast %scan3A_46 : i32 to index
      %swap3A_160 = arith.constant 0 : index
      %swap3A_161 = vector.load %arg2[%swap3A_158, %swap3A_159, %swap3A_160] : memref<2x2048x1xf32, #tpu.memory_space<vmem>>, vector<1x1x1xf32>
      %swap3A_162 = vector.shape_cast %swap3A_161 : vector<1x1x1xf32> to vector<1x1xf32>
      %swap3A_163 = vector.shape_cast %broadcast_in_dim3A_133 : vector<1x1xf32> to vector<1x1x1xf32>
      tpu.vector_store %arg2[%swap3A_158, %swap3A_159, %swap3A_160], %swap3A_163 {strides = array<i32>} : memref<2x2048x1xf32, #tpu.memory_space<vmem>>, vector<1x1x1xf32>,
      %swap3A_164 = arith.constant 1 : index
      %swap3A_165 = arith.index_cast %scan3A_46 : i32 to index
      %swap3A_166 = arith.constant 0 : index
      %swap3A_167 = vector.load %arg3[%swap3A_164, %swap3A_165, %swap3A_166] : memref<2x2048x1xf32, #tpu.memory_space<vmem>>, vector<1x1x1xf32>
      %swap3A_168 = vector.shape_cast %swap3A_167 : vector<1x1x1xf32> to vector<1x1xf32>
      %swap3A_169 = vector.shape_cast %broadcast_in_dim3A_142 : vector<1x1xf32> to vector<1x1x1xf32>
      tpu.vector_store %arg3[%swap3A_164, %swap3A_165, %swap3A_166], %swap3A_169 {strides = array<i32>} : memref<2x2048x1xf32, #tpu.memory_space<vmem>>, vector<1x1x1xf32>,
      %swap3A_170 = arith.constant 1 : index
      %swap3A_171 = arith.index_cast %scan3A_46 : i32 to index
      %swap3A_172 = arith.constant 0 : index
      %swap3A_173 = vector.load %arg4[%swap3A_170, %swap3A_171, %swap3A_172] : memref<2x2048x1xf32, #tpu.memory_space<vmem>>, vector<1x1x1xf32>
      %swap3A_174 = vector.shape_cast %swap3A_173 : vector<1x1x1xf32> to vector<1x1xf32>
      %swap3A_175 = vector.shape_cast %broadcast_in_dim3A_151 : vector<1x1xf32> to vector<1x1x1xf32>
      tpu.vector_store %arg4[%swap3A_170, %swap3A_171, %swap3A_172], %swap3A_175 {strides = array<i32>} : memref<2x2048x1xf32, #tpu.memory_space<vmem>>, vector<1x1x1xf32>,
      %sub3A_176 = vector.broadcast %broadcast_in_dim3A_133 : vector<1x1xf32> to vector<64x128xf32>
      %sub3A_177 = arith.subf %get3A_25, %sub3A_176 : vector<64x128xf32>
      %integer_pow3A_178 = arith.mulf %sub3A_177, %sub3A_177 : vector<64x128xf32>
      %sub3A_179 = vector.broadcast %broadcast_in_dim3A_142 : vector<1x1xf32> to vector<64x128xf32>
      %sub3A_180 = arith.subf %get3A_31, %sub3A_179 : vector<64x128xf32>
      %integer_pow3A_181 = arith.mulf %sub3A_180, %sub3A_180 : vector<64x128xf32>
      %add3A_182 = arith.addf %integer_pow3A_178, %integer_pow3A_181 : vector<64x128xf32>
      %sub3A_183 = vector.broadcast %broadcast_in_dim3A_151 : vector<1x1xf32> to vector<64x128xf32>
      %sub3A_184 = arith.subf %get3A_37, %sub3A_183 : vector<64x128xf32>
      %integer_pow3A_185 = arith.mulf %sub3A_184, %sub3A_184 : vector<64x128xf32>
      %add3A_186 = arith.addf %add3A_182, %integer_pow3A_185 : vector<64x128xf32>
      %min3A_187 = arith.minimumf %scan3A_50, %add3A_186 : vector<64x128xf32>
      %reduce_max3A_188 = vector.shape_cast %min3A_187 : vector<64x128xf32> to vector<1x64x128xf32>
      %reduce_max3A_189 = arith.constant dense<0xFF800000> : vector<1xf32>
      %reduce_max3A_190 = vector.multi_reduction <maximumf>, %reduce_max3A_188, %reduce_max3A_189 [1, 2] : vector<1x64x128xf32> to vector<1xf32>
      %reduce_max3A_191 = vector.shape_cast %reduce_max3A_190 : vector<1xf32> to vector<1x1x1xf32>
      %reduce_max3A_192 = vector.extract %reduce_max3A_191[0, 0, 0] : f32 from vector<1x1x1xf32>
      %broadcast_in_dim3A_193 = vector.broadcast %reduce_max3A_192 : f32 to vector<1x1xf32>
      %eq3A_194 = vector.broadcast %broadcast_in_dim3A_193 : vector<1x1xf32> to vector<64x128xf32>
      %eq3A_195 = arith.cmpf oeq, %min3A_187, %eq3A_194 : vector<64x128xf32>
      %jit3A_196 = arith.constant 2147483647 : i32
      %broadcast_in_dim3A_197 = vector.broadcast %jit3A_196 : i32 to vector<64x128xi32>
      %select_n3A_198 = arith.select %eq3A_195, %add3A, %broadcast_in_dim3A_197 : vector<64x128xi1>, vector<64x128xi32>
      %reduce_min3A_199 = vector.shape_cast %select_n3A_198 : vector<64x128xi32> to vector<1x64x128xi32>
      %reduce_min3A_200 = arith.constant dense<2147483647> : vector<1xi32>
      %reduce_min3A_201 = vector.multi_reduction <minsi>, %reduce_min3A_199, %reduce_min3A_200 [1, 2] : vector<1x64x128xi32> to vector<1xi32>
      %reduce_min3A_202 = vector.shape_cast %reduce_min3A_201 : vector<1xi32> to vector<1x1x1xi32>
      %reduce_min3A_203 = vector.extract %reduce_min3A_202[0, 0, 0] : i32 from vector<1x1x1xi32>
      %broadcast_in_dim3A_204 = vector.broadcast %reduce_min3A_203 : i32 to vector<1x1xi32>
      scf.yield %broadcast_in_dim3A_122, %broadcast_in_dim3A_204, %min3A, %min3A_187 : vector<1x1xi32>, vector<1x1xi32>, vector<64x128xf32>, vector<64x128xf32>
    }
    %scan3A_45 = arith.constant 2048 : i32
    return
  }
}

module attributes {stable_mosaic.version = 14 : i64} {
  func.func @_knn_body(%arg0: i32, %arg1: i32, %arg2: memref<1x16x8xf32, #tpu.memory_space<vmem>>, %arg3: memref<1x16x1xf32, #tpu.memory_space<vmem>>, %arg4: memref<1x8x8192xf32, #tpu.memory_space<vmem>>, %arg5: memref<1x1x8192xf32, #tpu.memory_space<vmem>>, %arg6: memref<1x16x32xi32, #tpu.memory_space<vmem>>) attributes {dimension_semantics = [#tpu.dimension_semantics<arbitrary>, #tpu.dimension_semantics<arbitrary>], iteration_bounds = array<i64: 2, 128>, scalar_prefetch = 0 : i64, scratch_operands = 0 : i64, tpu.core_type = #tpu.core_type<tc>, window_params = [{transform_indices = @transform_0, window_bounds = array<i64: 1, 16, 8>}, {transform_indices = @transform_1, window_bounds = array<i64: 1, 16, 1>}, {transform_indices = @transform_2, window_bounds = array<i64: 1, 8, 8192>}, {transform_indices = @transform_3, window_bounds = array<i64: 1, 1, 8192>}, {transform_indices = @transform_4, window_bounds = array<i64: 1, 16, 32>}]} {
    %get3A = arith.constant 0 : index
    %get3A_0 = arith.constant 0 : index
    %get3A_1 = arith.constant 0 : index
    %get3A_2 = vector.load %arg2[%get3A, %get3A_0, %get3A_1] : memref<1x16x8xf32, #tpu.memory_space<vmem>>, vector<1x16x8xf32>
    %get3A_3 = vector.shape_cast %get3A_2 : vector<1x16x8xf32> to vector<16x8xf32>
    %get3A_4 = arith.constant 0 : index
    %get3A_5 = arith.constant 0 : index
    %get3A_6 = arith.constant 0 : index
    %get3A_7 = vector.load %arg4[%get3A_4, %get3A_5, %get3A_6] : memref<1x8x8192xf32, #tpu.memory_space<vmem>>, vector<1x8x8192xf32>
    %get3A_8 = vector.shape_cast %get3A_7 : vector<1x8x8192xf32> to vector<8x8192xf32>
    %get3A_9 = arith.constant 0 : index
    %get3A_10 = arith.constant 0 : index
    %get3A_11 = arith.constant 0 : index
    %get3A_12 = vector.load %arg3[%get3A_9, %get3A_10, %get3A_11] : memref<1x16x1xf32, #tpu.memory_space<vmem>>, vector<1x16x1xf32>
    %get3A_13 = vector.shape_cast %get3A_12 : vector<1x16x1xf32> to vector<16x1xf32>
    %dot_general3A = arith.constant dense<0.000000e+00> : vector<16x8192xf32>
    %dot_general3A_14 = tpu.matmul %get3A_3, %get3A_8, %dot_general3A {dimension_numbers = #tpu.dot_dimension_numbers<[1], [0], [0], [1], [0, 0, 1, 1], [], []>, transpose_lhs_hint = false} : vector<16x8xf32>, vector<8x8192xf32>, vector<16x8192xf32> -> vector<16x8192xf32>
    %mul3A = arith.constant 2.000000e+00 : f32
    %mul3A_15 = vector.broadcast %mul3A : f32 to vector<16x8192xf32>
    %mul3A_16 = arith.mulf %mul3A_15, %dot_general3A_14 : vector<16x8192xf32>
    %sub3A = vector.broadcast %get3A_13 : vector<16x1xf32> to vector<16x8192xf32>
    %sub3A_17 = arith.subf %sub3A, %mul3A_16 : vector<16x8192xf32>
    %get3A_18 = arith.constant 0 : index
    %get3A_19 = arith.constant 0 : index
    %get3A_20 = arith.constant 0 : index
    %get3A_21 = vector.load %arg5[%get3A_18, %get3A_19, %get3A_20] : memref<1x1x8192xf32, #tpu.memory_space<vmem>>, vector<1x1x8192xf32>
    %get3A_22 = vector.shape_cast %get3A_21 : vector<1x1x8192xf32> to vector<1x8192xf32>
    %add3A = vector.broadcast %get3A_22 : vector<1x8192xf32> to vector<16x8192xf32>
    %add3A_23 = arith.addf %sub3A_17, %add3A : vector<16x8192xf32>
    %iota3A = tpu.iota {dimensions = array<i32: 1>} : vector<8x8192xi32>
    %convert_element_type3A = arith.sitofp %iota3A : vector<8x8192xi32> to vector<8x8192xf32>
    %iota3A_24 = tpu.iota {dimensions = array<i32: 1>} : vector<8x32xi32>
    %slice3A = vector.extract_strided_slice %add3A_23 {offsets = [0, 0], sizes = [8, 8192], strides = [1, 1]} : vector<16x8192xf32> to vector<8x8192xf32>
    %slice3A_25 = vector.extract_strided_slice %add3A_23 {offsets = [8, 0], sizes = [8, 8192], strides = [1, 1]} : vector<16x8192xf32> to vector<8x8192xf32>
    %broadcast_in_dim3A = arith.constant 0.000000e+00 : f32
    %broadcast_in_dim3A_26 = vector.broadcast %broadcast_in_dim3A : f32 to vector<8x32xf32>
    %broadcast_in_dim3A_27 = arith.constant 0.000000e+00 : f32
    %broadcast_in_dim3A_28 = vector.broadcast %broadcast_in_dim3A_27 : f32 to vector<8x32xf32>
    %scan3A = arith.constant 3.000000e+38 : f32
    %scan3A_29 = arith.constant 0 : i32
    %scan3A_30 = arith.constant 32 : i32
    %scan3A_31 = arith.addi %scan3A_29, %scan3A_30 : i32
    %scan3A_32 = arith.constant 1 : i32
    %scan3A_33:4 = scf.for %scan3A_41 = %scan3A_29 to %scan3A_31 step %scan3A_32 iter_args(%scan3A_42 = %slice3A, %scan3A_43 = %slice3A_25, %scan3A_44 = %broadcast_in_dim3A_26, %scan3A_45 = %broadcast_in_dim3A_28) -> (vector<8x8192xf32>, vector<8x8192xf32>, vector<8x32xf32>, vector<8x32xf32>)  : i32 {
      %reduce_min3A = arith.constant dense<0x7F800000> : vector<8xf32>
      %reduce_min3A_46 = vector.multi_reduction <minimumf>, %scan3A_42, %reduce_min3A [1] : vector<8x8192xf32> to vector<8xf32>
      %broadcast_in_dim3A_47 = vector.shape_cast %reduce_min3A_46 : vector<8xf32> to vector<8x1xf32>
      %eq3A = vector.broadcast %broadcast_in_dim3A_47 : vector<8x1xf32> to vector<8x8192xf32>
      %eq3A_48 = arith.cmpf oeq, %scan3A_42, %eq3A : vector<8x8192xf32>
      %broadcast_in_dim3A_49 = vector.broadcast %scan3A : f32 to vector<8x8192xf32>
      %select_n3A = arith.select %eq3A_48, %convert_element_type3A, %broadcast_in_dim3A_49 : vector<8x8192xi1>, vector<8x8192xf32>
      %reduce_min3A_50 = arith.constant dense<0x7F800000> : vector<8xf32>
      %reduce_min3A_51 = vector.multi_reduction <minimumf>, %select_n3A, %reduce_min3A_50 [1] : vector<8x8192xf32> to vector<8xf32>
      %broadcast_in_dim3A_52 = vector.shape_cast %reduce_min3A_51 : vector<8xf32> to vector<8x1xf32>
      %eq3A_53 = vector.broadcast %scan3A_41 : i32 to vector<8x32xi32>
      %eq3A_54 = arith.cmpi eq, %iota3A_24, %eq3A_53 : vector<8x32xi32>
      %broadcast_in_dim3A_55 = vector.shape_cast %broadcast_in_dim3A_52 : vector<8x1xf32> to vector<8x1xf32>
      %broadcast_in_dim3A_56 = vector.broadcast %broadcast_in_dim3A_55 : vector<8x1xf32> to vector<8x32xf32>
      %select_n3A_57 = arith.select %eq3A_54, %broadcast_in_dim3A_56, %scan3A_44 : vector<8x32xi1>, vector<8x32xf32>
      %broadcast_in_dim3A_58 = vector.broadcast %scan3A : f32 to vector<8x8192xf32>
      %select_n3A_59 = arith.select %eq3A_48, %broadcast_in_dim3A_58, %scan3A_42 : vector<8x8192xi1>, vector<8x8192xf32>
      %reduce_min3A_60 = arith.constant dense<0x7F800000> : vector<8xf32>
      %reduce_min3A_61 = vector.multi_reduction <minimumf>, %scan3A_43, %reduce_min3A_60 [1] : vector<8x8192xf32> to vector<8xf32>
      %broadcast_in_dim3A_62 = vector.shape_cast %reduce_min3A_61 : vector<8xf32> to vector<8x1xf32>
      %eq3A_63 = vector.broadcast %broadcast_in_dim3A_62 : vector<8x1xf32> to vector<8x8192xf32>
      %eq3A_64 = arith.cmpf oeq, %scan3A_43, %eq3A_63 : vector<8x8192xf32>
      %broadcast_in_dim3A_65 = vector.broadcast %scan3A : f32 to vector<8x8192xf32>
      %select_n3A_66 = arith.select %eq3A_64, %convert_element_type3A, %broadcast_in_dim3A_65 : vector<8x8192xi1>, vector<8x8192xf32>
      %reduce_min3A_67 = arith.constant dense<0x7F800000> : vector<8xf32>
      %reduce_min3A_68 = vector.multi_reduction <minimumf>, %select_n3A_66, %reduce_min3A_67 [1] : vector<8x8192xf32> to vector<8xf32>
      %broadcast_in_dim3A_69 = vector.shape_cast %reduce_min3A_68 : vector<8xf32> to vector<8x1xf32>
      %eq3A_70 = vector.broadcast %scan3A_41 : i32 to vector<8x32xi32>
      %eq3A_71 = arith.cmpi eq, %iota3A_24, %eq3A_70 : vector<8x32xi32>
      %broadcast_in_dim3A_72 = vector.shape_cast %broadcast_in_dim3A_69 : vector<8x1xf32> to vector<8x1xf32>
      %broadcast_in_dim3A_73 = vector.broadcast %broadcast_in_dim3A_72 : vector<8x1xf32> to vector<8x32xf32>
      %select_n3A_74 = arith.select %eq3A_71, %broadcast_in_dim3A_73, %scan3A_45 : vector<8x32xi1>, vector<8x32xf32>
      %broadcast_in_dim3A_75 = vector.broadcast %scan3A : f32 to vector<8x8192xf32>
      %select_n3A_76 = arith.select %eq3A_64, %broadcast_in_dim3A_75, %scan3A_43 : vector<8x8192xi1>, vector<8x8192xf32>
      scf.yield %select_n3A_59, %select_n3A_76, %select_n3A_57, %select_n3A_74 : vector<8x8192xf32>, vector<8x8192xf32>, vector<8x32xf32>, vector<8x32xf32>
    }
    %scan3A_34 = arith.constant 32 : i32
    %concatenate3A = tpu.concatenate %scan3A_33#2, %scan3A_33#3 in 0 : vector<8x32xf32>, vector<8x32xf32> -> vector<16x32xf32>
    %convert_element_type3A_35 = arith.fptosi %concatenate3A : vector<16x32xf32> to vector<16x32xi32>
    %swap3A = arith.constant 0 : index
    %swap3A_36 = arith.constant 0 : index
    %swap3A_37 = arith.constant 0 : index
    %swap3A_38 = vector.load %arg6[%swap3A, %swap3A_36, %swap3A_37] : memref<1x16x32xi32, #tpu.memory_space<vmem>>, vector<1x16x32xi32>
    %swap3A_39 = vector.shape_cast %swap3A_38 : vector<1x16x32xi32> to vector<16x32xi32>
    %swap3A_40 = vector.shape_cast %convert_element_type3A_35 : vector<16x32xi32> to vector<1x16x32xi32>
    tpu.vector_store %arg6[%swap3A, %swap3A_36, %swap3A_37], %swap3A_40 {strides = array<i32>} : memref<1x16x32xi32, #tpu.memory_space<vmem>>, vector<1x16x32xi32>,
    return
  }
  func.func @transform_0(%arg0: i32, %arg1: i32) -> (i32, i32, i32) {
    %c0_i32 = arith.constant 0 : i32
    %c0_i32_0 = arith.constant 0 : i32
    return %arg0, %arg1, %c0_i32 : i32, i32, i32
  }
  func.func @transform_1(%arg0: i32, %arg1: i32) -> (i32, i32, i32) {
    %c0_i32 = arith.constant 0 : i32
    %c0_i32_0 = arith.constant 0 : i32
    return %arg0, %arg1, %c0_i32 : i32, i32, i32
  }
  func.func @transform_2(%arg0: i32, %arg1: i32) -> (i32, i32, i32) {
    %c0_i32 = arith.constant 0 : i32
    %c0_i32_0 = arith.constant 0 : i32
    %c0_i32_1 = arith.constant 0 : i32
    return %arg0, %c0_i32, %c0_i32_0 : i32, i32, i32
  }
  func.func @transform_3(%arg0: i32, %arg1: i32) -> (i32, i32, i32) {
    %c0_i32 = arith.constant 0 : i32
    %c0_i32_0 = arith.constant 0 : i32
    %c0_i32_1 = arith.constant 0 : i32
    return %arg0, %c0_i32, %c0_i32_0 : i32, i32, i32
  }
  func.func @transform_4(%arg0: i32, %arg1: i32) -> (i32, i32, i32) {
    %c0_i32 = arith.constant 0 : i32
    %c0_i32_0 = arith.constant 0 : i32
    return %arg0, %arg1, %c0_i32 : i32, i32, i32
  }
}

module attributes {stable_mosaic.version = 14 : i64} {
  func.func @_pmat_body(%arg0: i32, %arg1: i32, %arg2: memref<1x1024x131xf32, #tpu.memory_space<vmem>>, %arg3: memref<131x128xf32, #tpu.memory_space<vmem>>, %arg4: memref<1x1024x128xf32, #tpu.memory_space<vmem>>) attributes {dimension_semantics = [#tpu.dimension_semantics<arbitrary>, #tpu.dimension_semantics<arbitrary>], iteration_bounds = array<i64: 2, 8>, scalar_prefetch = 0 : i64, scratch_operands = 0 : i64, tpu.core_type = #tpu.core_type<tc>, window_params = [{transform_indices = @transform_0, window_bounds = array<i64: 1, 1024, 131>}, {pipeline_mode = #tpu.pipeline_mode<synchronous>, transform_indices = @transform_1, window_bounds = array<i64: 131, 128>}, {transform_indices = @transform_2, window_bounds = array<i64: 1, 1024, 128>}]} {
    %get3A = arith.constant 0 : index
    %get3A_0 = arith.constant 0 : index
    %get3A_1 = arith.constant 0 : index
    %get3A_2 = vector.load %arg2[%get3A, %get3A_0, %get3A_1] : memref<1x1024x131xf32, #tpu.memory_space<vmem>>, vector<1x1024x131xf32>
    %get3A_3 = vector.shape_cast %get3A_2 : vector<1x1024x131xf32> to vector<1024x131xf32>
    %get3A_4 = arith.constant 0 : index
    %get3A_5 = arith.constant 0 : index
    %get3A_6 = vector.load %arg3[%get3A_4, %get3A_5] : memref<131x128xf32, #tpu.memory_space<vmem>>, vector<131x128xf32>
    %dot_general3A = arith.constant dense<0.000000e+00> : vector<1024x128xf32>
    %dot_general3A_7 = tpu.matmul %get3A_3, %get3A_6, %dot_general3A {dimension_numbers = #tpu.dot_dimension_numbers<[1], [0], [0], [1], [0, 0, 1, 1], [], []>, transpose_lhs_hint = false} : vector<1024x131xf32>, vector<131x128xf32>, vector<1024x128xf32> -> vector<1024x128xf32>
    %swap3A = arith.constant 0 : index
    %swap3A_8 = arith.constant 0 : index
    %swap3A_9 = arith.constant 0 : index
    %swap3A_10 = vector.load %arg4[%swap3A, %swap3A_8, %swap3A_9] : memref<1x1024x128xf32, #tpu.memory_space<vmem>>, vector<1x1024x128xf32>
    %swap3A_11 = vector.shape_cast %swap3A_10 : vector<1x1024x128xf32> to vector<1024x128xf32>
    %swap3A_12 = vector.shape_cast %dot_general3A_7 : vector<1024x128xf32> to vector<1x1024x128xf32>
    tpu.vector_store %arg4[%swap3A, %swap3A_8, %swap3A_9], %swap3A_12 {strides = array<i32>} : memref<1x1024x128xf32, #tpu.memory_space<vmem>>, vector<1x1024x128xf32>,
    return
  }
  func.func @transform_0(%arg0: i32, %arg1: i32) -> (i32, i32, i32) {
    %c0_i32 = arith.constant 0 : i32
    %c0_i32_0 = arith.constant 0 : i32
    return %arg0, %arg1, %c0_i32 : i32, i32, i32
  }
  func.func @transform_1(%arg0: i32, %arg1: i32) -> (i32, i32) {
    %c0_i32 = arith.constant 0 : i32
    %c0_i32_0 = arith.constant 0 : i32
    %c0_i32_1 = arith.constant 0 : i32
    return %c0_i32, %c0_i32_0 : i32, i32
  }
  func.func @transform_2(%arg0: i32, %arg1: i32) -> (i32, i32, i32) {
    %c0_i32 = arith.constant 0 : i32
    %c0_i32_0 = arith.constant 0 : i32
    return %arg0, %arg1, %c0_i32 : i32, i32, i32
  }
}

module attributes {stable_mosaic.version = 14 : i64} {
  func.func @_mlp_body(%arg0: i32, %arg1: memref<4096x128xf32, #tpu.memory_space<vmem>>, %arg2: memref<128x8xf32, #tpu.memory_space<vmem>>, %arg3: memref<8x128xf32, #tpu.memory_space<vmem>>, %arg4: memref<1x128xf32, #tpu.memory_space<vmem>>, %arg5: memref<128x256xf32, #tpu.memory_space<vmem>>, %arg6: memref<1x256xf32, #tpu.memory_space<vmem>>, %arg7: memref<128x256xf32, #tpu.memory_space<vmem>>) attributes {dimension_semantics = [#tpu.dimension_semantics<arbitrary>], iteration_bounds = array<i64: 32>, scalar_prefetch = 0 : i64, scratch_operands = 0 : i64, tpu.core_type = #tpu.core_type<tc>, window_params = [{transform_indices = @transform_0, window_bounds = array<i64: 4096, 128>}, {transform_indices = @transform_1, window_bounds = array<i64: 128, 8>}, {pipeline_mode = #tpu.pipeline_mode<synchronous>, transform_indices = @transform_2, window_bounds = array<i64: 8, 128>}, {pipeline_mode = #tpu.pipeline_mode<synchronous>, transform_indices = @transform_3, window_bounds = array<i64: 1, 128>}, {pipeline_mode = #tpu.pipeline_mode<synchronous>, transform_indices = @transform_4, window_bounds = array<i64: 128, 256>}, {pipeline_mode = #tpu.pipeline_mode<synchronous>, transform_indices = @transform_5, window_bounds = array<i64: 1, 256>}, {transform_indices = @transform_6, window_bounds = array<i64: 128, 256>}]} {
    %get3A = arith.constant 0 : index
    %get3A_0 = arith.constant 0 : index
    %get3A_1 = vector.load %arg2[%get3A, %get3A_0] : memref<128x8xf32, #tpu.memory_space<vmem>>, vector<128x8xf32>
    %get3A_2 = arith.constant 0 : index
    %get3A_3 = arith.constant 0 : index
    %get3A_4 = vector.load %arg3[%get3A_2, %get3A_3] : memref<8x128xf32, #tpu.memory_space<vmem>>, vector<8x128xf32>
    %dot_general3A = arith.constant dense<0.000000e+00> : vector<128x128xf32>
    %dot_general3A_5 = tpu.matmul %get3A_1, %get3A_4, %dot_general3A {dimension_numbers = #tpu.dot_dimension_numbers<[1], [0], [0], [1], [0, 0, 1, 1], [], []>, transpose_lhs_hint = false} : vector<128x8xf32>, vector<8x128xf32>, vector<128x128xf32> -> vector<128x128xf32>
    %get3A_6 = arith.constant 0 : index
    %get3A_7 = arith.constant 0 : index
    %get3A_8 = vector.load %arg4[%get3A_6, %get3A_7] : memref<1x128xf32, #tpu.memory_space<vmem>>, vector<1x128xf32>
    %sub3A = vector.broadcast %get3A_8 : vector<1x128xf32> to vector<128x128xf32>
    %sub3A_9 = arith.subf %sub3A, %dot_general3A_5 : vector<128x128xf32>
    %get3A_10 = arith.constant 0 : index
    %get3A_11 = arith.constant 0 : index
    %get3A_12 = vector.load %arg1[%get3A_10, %get3A_11] : memref<4096x128xf32, #tpu.memory_space<vmem>>, vector<4096x128xf32>
    %reshape3A = vector.shape_cast %get3A_12 : vector<4096x128xf32> to vector<128x32x128xf32>
    %broadcast_in_dim3A = vector.shape_cast %sub3A_9 : vector<128x128xf32> to vector<128x1x128xf32>
    %add3A = vector.broadcast %broadcast_in_dim3A : vector<128x1x128xf32> to vector<128x32x128xf32>
    %add3A_13 = arith.addf %reshape3A, %add3A : vector<128x32x128xf32>
    %max3A = arith.constant 0.000000e+00 : f32
    %max3A_14 = vector.broadcast %max3A : f32 to vector<128x32x128xf32>
    %max3A_15 = arith.maximumf %add3A_13, %max3A_14 : vector<128x32x128xf32>
    %reshape3A_16 = vector.shape_cast %max3A_15 : vector<128x32x128xf32> to vector<4096x128xf32>
    %get3A_17 = arith.constant 0 : index
    %get3A_18 = arith.constant 0 : index
    %get3A_19 = vector.load %arg5[%get3A_17, %get3A_18] : memref<128x256xf32, #tpu.memory_space<vmem>>, vector<128x256xf32>
    %dot_general3A_20 = arith.constant dense<0.000000e+00> : vector<4096x256xf32>
    %dot_general3A_21 = tpu.matmul %reshape3A_16, %get3A_19, %dot_general3A_20 {dimension_numbers = #tpu.dot_dimension_numbers<[1], [0], [0], [1], [0, 0, 1, 1], [], []>, transpose_lhs_hint = false} : vector<4096x128xf32>, vector<128x256xf32>, vector<4096x256xf32> -> vector<4096x256xf32>
    %get3A_22 = arith.constant 0 : index
    %get3A_23 = arith.constant 0 : index
    %get3A_24 = vector.load %arg6[%get3A_22, %get3A_23] : memref<1x256xf32, #tpu.memory_space<vmem>>, vector<1x256xf32>
    %add3A_25 = vector.broadcast %get3A_24 : vector<1x256xf32> to vector<4096x256xf32>
    %add3A_26 = arith.addf %dot_general3A_21, %add3A_25 : vector<4096x256xf32>
    %max3A_27 = arith.constant 0.000000e+00 : f32
    %max3A_28 = vector.broadcast %max3A_27 : f32 to vector<4096x256xf32>
    %max3A_29 = arith.maximumf %add3A_26, %max3A_28 : vector<4096x256xf32>
    %reshape3A_30 = vector.shape_cast %max3A_29 : vector<4096x256xf32> to vector<128x32x256xf32>
    %reduce_max3A = arith.constant dense<0xFF800000> : vector<128x256xf32>
    %reduce_max3A_31 = vector.multi_reduction <maximumf>, %reshape3A_30, %reduce_max3A [1] : vector<128x32x256xf32> to vector<128x256xf32>
    %swap3A = arith.constant 0 : index
    %swap3A_32 = arith.constant 0 : index
    %swap3A_33 = vector.load %arg7[%swap3A, %swap3A_32] : memref<128x256xf32, #tpu.memory_space<vmem>>, vector<128x256xf32>
    tpu.vector_store %arg7[%swap3A, %swap3A_32], %reduce_max3A_31 {strides = array<i32>} : memref<128x256xf32, #tpu.memory_space<vmem>>, vector<128x256xf32>,
    return
  }
  func.func @transform_0(%arg0: i32) -> (i32, i32) {
    %c0_i32 = arith.constant 0 : i32
    %c0_i32_0 = arith.constant 0 : i32
    return %arg0, %c0_i32 : i32, i32
  }
  func.func @transform_1(%arg0: i32) -> (i32, i32) {
    %c0_i32 = arith.constant 0 : i32
    %c0_i32_0 = arith.constant 0 : i32
    return %arg0, %c0_i32 : i32, i32
  }
  func.func @transform_2(%arg0: i32) -> (i32, i32) {
    %c0_i32 = arith.constant 0 : i32
    %c0_i32_0 = arith.constant 0 : i32
    %c0_i32_1 = arith.constant 0 : i32
    return %c0_i32, %c0_i32_0 : i32, i32
  }
  func.func @transform_3(%arg0: i32) -> (i32, i32) {
    %c0_i32 = arith.constant 0 : i32
    %c0_i32_0 = arith.constant 0 : i32
    %c0_i32_1 = arith.constant 0 : i32
    return %c0_i32, %c0_i32_0 : i32, i32
  }
  func.func @transform_4(%arg0: i32) -> (i32, i32) {
    %c0_i32 = arith.constant 0 : i32
    %c0_i32_0 = arith.constant 0 : i32
    %c0_i32_1 = arith.constant 0 : i32
    return %c0_i32, %c0_i32_0 : i32, i32
  }
  func.func @transform_5(%arg0: i32) -> (i32, i32) {
    %c0_i32 = arith.constant 0 : i32
    %c0_i32_0 = arith.constant 0 : i32
    %c0_i32_1 = arith.constant 0 : i32
    return %c0_i32, %c0_i32_0 : i32, i32
  }
  func.func @transform_6(%arg0: i32) -> (i32, i32) {
    %c0_i32 = arith.constant 0 : i32
    %c0_i32_0 = arith.constant 0 : i32
    return %arg0, %c0_i32 : i32, i32
  }
}

</mosaic_0001>

<sc_bundles>
// kernel: kernel.7.cloned.1.call-start
scs
__scs_entry_jumppad:
0x0: {  	(pc) =	sbr.rel $0x88, $3  }
0x1: {  	(tag) =	ssettag $0x0;
	lr =	simm.s32 $0x1  }
0x2: {  	[smem:$0x3F9B] =	sst lr;
	_ =	strace $0xD0000000  }
0x3: {  	_ = 	snop  }
0x4: {  	_ = 	snop  }
0x5: {  	_ = 	snop  }
0x6: {  	_ = 	snop  }
0x7: {  	_ = 	snop  }
__scs_overlays_trampoline_lowered:
0x8: {  	[smem:$0x3FAA] =	sst s0  }
0x9: {  	[smem:$0x3FAB] =	sst s1  }
0xa: {  	[smem:$0x3FAC] =	sst s2  }
0xb: {  	[smem:$0x3FAD] =	sst s3  }
0xc: {  	[smem:$0x3FAE] =	sst s4  }
0xd: {  	[smem:$0x3FAF] =	sst s5  }
0xe: {  	[smem:$0x3FB0] =	sst s6  }
0xf: {  	[smem:$0x3FB1] =	sst s7  }
0x10: {  	[smem:$0x3FB2] =	sst s8  }
0x11: {  	[smem:$0x3FB3] =	sst s9;
	s0 =	simm.s32 @!p0 $0x0  }
0x12: {  	s1 =	sld [smem:$0x3F99];
	s0 =	simm.s32 @p0 $0x1  }
0x13: {  	[smem:$0x3FB4] =	sst s0;
	s0 =	simm.s32 @!p1 $0x0  }
0x14: {  	s2 =	sld [smem:$0x3F98];
	s0 =	simm.s32 @p1 $0x1  }
0x15: {  	[smem:$0x3FB5] =	sst s0;
	s0 =	simm.s32 @!p2 $0x0  }
0x16: {  	s3 =	sld [smem:$0x3FDB];
	s0 =	simm.s32 @p2 $0x1  }
0x17: {  	s4 =	simm.s32 $0x1BF5;
	[smem:$0x3FB7] =	sst s0  }
0x18: {  	s0 =	sld [smem:$0x3F9A];
	_ =	swait.ge [sflag:s4], $0x0  }
0x19: {  	s7 =	sld [smem:$0x3F9B]  }
0x1a: {  	s8 =	sadd.s32 $0xFFFFE003, lr  }
0x1b: {  	s9 =	sadd.s32 $0xFFFFFEF7, lr;
	s5 =	simm.s32 $0xFFFFFFFF;
	p2 =	slt.u32 s8, $0xFFFFF086  }
0x1c: {  	p1 =	slt.u32 s9, $0xF7A;
	s5 =	simm.s32 @!p2 $0x0  }
0x1d: {  	s5 =	simm.s32 @p1 $0x1;
	p0 =	seq.s32 s7, s2  }
0x1e: {  	s7 =	smul.u32 @!p0 $0xF7A, s2;
	p2 =	seq.s32 @!p0 s5, $0x0  }
0x1f: {  	s9 =	smul.u32 $0xF7A, s1;
	s8 =	simm.s32 @!p0 $0x1BF5;
	p2 =	por !p2, p0  }
0x20: {  	[sflag:s8] =	ssyncset.s32 @!p0 $0xFFFFF086;
	s6 =	sadd.s32 @!p0 s3, s7;
	s7 =	simm.s32 @!p0 $0x108  }
0x21: {  	s3 =	sadd.s32 s3, s9;
	s6 =	sadd.s32 @!p0 $0x88, s6;
	s7 =	simm.s32 @p2 $0x1082  }
0x22: {  	[simem:s7], [sflag:s8] =	dma.local @!p0 [hbm:s6], $0xF7A  }
0x23: {  	s9 =	sor.u32 $0xD0000000, s2;
	s6 =	simm.s32 $0x108;
	_ =	swait.ge @!p0 [sflag:s8], $0x0  }
0x24: {  	s3 =	sadd.s32 $0x88, s3;
	s6 =	simm.s32 @!p1 $0x1082;
	[sflag:s4] =	ssyncset.s32 $0xFFFFF086  }
0x25: {  	[simem:s6], [sflag:s4] =	dma.local [hbm:s3], $0xF7A  }
0x26: {  	[smem:$0x3F9B] =	sst s1;
	(tag) =	ssettag s2;
	_ =	strace s9  }
0x27: {  	s1 =	sld [smem:$0x3FAB]  }
0x28: {  	s2 =	sld [smem:$0x3FAC]  }
0x29: {  	s4 =	sld [smem:$0x3FAE]  }
0x2a: {  	p0 =	seq.s32 s5, $0x0;
	s5 =	sld [smem:$0x3FAF]  }
0x2b: {  	s6 =	sld [smem:$0x3FB0]  }
0x2c: {  	s7 =	sld [smem:$0x3FB1]  }
0x2d: {  	s3 =	simm.s32 $0x108;
	s8 =	sld [smem:$0x3FB2]  }
0x2e: {  	s3 =	simm.s32 @!p0 $0x1082;
	s9 =	sld [smem:$0x3FB3]  }
0x2f: {  	lr =	sadd.s32 s0, s3;
	s0 =	sld [smem:$0x3FAA]  }
0x30: {  	s3 =	sld [smem:$0x3FAD]  }
0x31: {  	[smem:$0x3FB6] =	sst s10  }
0x32: {  	s10 =	sld [smem:$0x3FB4];
	_ =	sdelay $0x3  }
0x33: {  	p0 =	seq.s32 s10, $0x1;
	s10 =	sld [smem:$0x3FB6];
	_ =	sdelay $0x3  }
0x34: {  	[smem:$0x3FB6] =	sst s10  }
0x35: {  	s10 =	sld [smem:$0x3FB5];
	_ =	sdelay $0x3  }
0x36: {  	p1 =	seq.s32 s10, $0x1;
	s10 =	sld [smem:$0x3FB6];
	_ =	sdelay $0x3  }
0x37: {  	[smem:$0x3FB6] =	sst s10  }
0x38: {  	s10 =	sld [smem:$0x3FB7]  }
0x39: {  	_ = 	snop;
	(pc) =	sbr.ind lr, $3  }
0x3a: {  	_ = 	snop  }
0x3b: {  	_ = 	snop  }
0x3c: {  	p2 =	seq.s32 s10, $0x1;
	s10 =	sld [smem:$0x3FB6]  }
0x3d: {  	_ =	shalt  }
0x3e: {  	_ =	shalt  }
0x3f: {  	_ =	shalt  }
0x40: {  	_ =	shalt  }
0x41: {  	_ =	shalt  }
0x42: {  	_ =	shalt  }
0x43: {  	_ =	shalt  }
0x44: {  	_ =	shalt  }
0x45: {  	_ =	shalt  }
0x46: {  	_ =	shalt  }
0x47: {  	_ =	shalt  }
0x48: {  	_ =	shalt  }
0x49: {  	_ =	shalt  }
0x4a: {  	_ =	shalt  }
0x4b: {  	_ =	shalt  }
0x4c: {  	_ =	shalt  }
0x4d: {  	_ =	shalt  }
0x4e: {  	_ =	shalt  }
0x4f: {  	_ =	shalt  }
0x50: {  	_ =	shalt  }
0x51: {  	_ =	shalt  }
0x52: {  	_ =	shalt  }
0x53: {  	_ =	shalt  }
0x54: {  	_ =	shalt  }
0x55: {  	_ =	shalt  }
0x56: {  	_ =	shalt  }
0x57: {  	_ =	shalt  }
0x58: {  	_ =	shalt  }
0x59: {  	_ =	shalt  }
0x5a: {  	_ =	shalt  }
0x5b: {  	_ =	shalt  }
0x5c: {  	_ =	shalt  }
0x5d: {  	_ =	shalt  }
0x5e: {  	_ =	shalt  }
0x5f: {  	_ =	shalt  }
0x60: {  	_ =	shalt  }
0x61: {  	_ =	shalt  }
0x62: {  	_ =	shalt  }
0x63: {  	_ =	shalt  }
0x64: {  	_ =	shalt  }
0x65: {  	_ =	shalt  }
0x66: {  	_ =	shalt  }
0x67: {  	_ =	shalt  }
0x68: {  	_ =	shalt  }
0x69: {  	_ =	shalt  }
0x6a: {  	_ =	shalt  }
0x6b: {  	_ =	shalt  }
0x6c: {  	_ =	shalt  }
0x6d: {  	_ =	shalt  }
0x6e: {  	_ =	shalt  }
0x6f: {  	_ =	shalt  }
0x70: {  	_ =	shalt  }
0x71: {  	_ =	shalt  }
0x72: {  	_ =	shalt  }
0x73: {  	_ =	shalt  }
0x74: {  	_ =	shalt  }
0x75: {  	_ =	shalt  }
0x76: {  	_ =	shalt  }
0x77: {  	_ =	shalt  }
0x78: {  	_ =	shalt  }
0x79: {  	_ =	shalt  }
0x7a: {  	_ =	shalt  }
0x7b: {  	_ =	shalt  }
0x7c: {  	_ =	shalt  }
0x7d: {  	_ =	shalt  }
0x7e: {  	_ =	shalt  }
0x7f: {  	_ =	shalt  }
0x80: {  	_ =	shalt  }
0x81: {  	_ =	shalt  }
0x82: {  	_ =	shalt  }
0x83: {  	_ =	shalt  }
0x84: {  	_ =	shalt  }
0x85: {  	_ =	shalt  }
0x86: {  	_ =	shalt  }
0x87: {  	_ =	shalt  }
.Lfunc_end0:
.L_simem_size_0:
called_computation_lowered:
.L_overlay_start_0:
0x88: {  	s2 =	sld [smem:$0x3FD9]  }
0x89: {  	s3 =	sld [smem:$0x3FFE];
	_ =	sdelay $0x1  }
0x8a: {  	s1 =	srdreg.scid  }
0x8b: {  	s0 =	sand.u32 $0x1, s1  }
0x8c: {  	s14 =	sshll.u32 s0, $0xA;
	s2 =	sadd.s32 s3, s2  }
0x8d: {  	s2 =	sadd.s32 s2, s14  }
0x8e: {  	[smem:$0x3FC2] =	sst s2  }
0x8f: {  	_ = 	snop  }
0x90: {  	s2 =	sld [smem:$0x3FD0];
	_ =	sdelay $0x2  }
0x91: {  	s15 =	simm.s32 $0xA;
	s4 =	simm.s32 $0x10  }
0x92: {  	[smem:s4], [sflag:s15] =	dma.local [hbm:s2], $0x1  }
0x93: {  	_ =	swait.eq [sflag:s15], $0x1  }
0x94: {  	[sflag:s15] =	ssyncset.done $0x0  }
0x95: {  	[sflag:s15] =	ssyncadd.s32 $0xFFFFFFFF  }
0x96: {  	s16 =	sld [smem:$0x11];
	(tm) =	ssettm $0x1  }
0x97: {  	s17 =	sld [smem:$0x3FFB];
	_ =	sdelay $0x3  }
0x98: {  	_ =	strace s17  }
0x99: {  	s3 =	sld [smem:$0x3FFC];
	_ =	sdelay $0x3  }
0x9a: {  	_ =	strace s3  }
0x9b: {  	s3 =	sld [smem:$0x3FFD];
	_ =	sdelay $0x3  }
0x9c: {  	_ =	strace s3  }
0x9d: {  	_ =	strace $0x8FFFFFFF  }
0x9e: {  	s18 =	sld [smem:$0x3FDB];
	_ =	sdelay $0x1  }
0x9f: {  	s19 =	simm.s32 $_scs_section_size  }
0xa0: {  	s5 =	simm.s32 $_size__tile_overlayer_lowered;
	s6 =	simm.s32 $_tile_overlayer_lowered  }
0xa1: {  	s22 =	simm.s32 $0x1BFF;
	s21 =	sshll.u32 s6, $0x1;
	s3 =	sadd.s32 s19, s18  }
0xa2: {  	s7 =	simm.s32 $0x0;
	s20 =	sshll.u32 s5, $0x1;
	s5 =	sadd.s32 s21, s3  }
0xa3: {  	[timem:s7], [sflag:s22] =	dma.local [hbm:s5], s20  }
0xa4: {  	_ =	swait.ge [sflag:s22], s20  }
0xa5: {  	s4 =	ssub.s32 $0x0, s20;
	[sflag:s22] =	ssyncset.done $0x0  }
0xa6: {  	[sflag:s22] =	ssyncadd.s32 s4;
	_ =	sdelay $0x1  }
0xa7: {  	s23 =	simm.s32 $0x1B8B  }
0xa8: {  	_ =	swait.ge [sflag:s23], $0x1  }
0xa9: {  	[sflag:s23] =	ssyncset.done $0x0  }
0xaa: {  	s25 =	simm.s32 $0x1B8E;
	s24 =	sld [smem:$0x3FFE];
	[sflag:s23] =	ssyncadd.s32 $0xFFFFFFFF  }
0xab: {  	s26 =	simm.s32 $execute0_lowered;
	[smem:$0x3FD2] =	sst s25  }
0xac: {  	s5 =	sshll.u32 s26, $0x1;
	_ =	strace $0x80000046;
	[dreg:$0x1] =	wrdreg $0xFFFFFFFF  }
0xad: {  	s28 =	simm.s32 $_size_execute0_lowered;
	s3 =	sadd.s32 s3, s5;
	[dreg:$0x0] =	wrdreg $0x0  }
0xae: {  	s5 =	sshll.u32 s28, $0x1;
	[dreg:$0x2] =	wrdreg s3  }
0xaf: {  	[dreg:$0x3] =	wrdreg s5  }
0xb0: {  	[dreg:$0x4] =	wrdreg $0xC0  }
0xb1: {  	_ =	task [dreg:s7], $0x5FFFF  }
0xb2: {  	[dreg:$0x1] =	wrdreg $0xFFFFFFFF  }
0xb3: {  	[dreg:$0x0] =	wrdreg $0x60  }
0xb4: {  	[dreg:$0x2] =	wrdreg s24  }
0xb5: {  	[dreg:$0x3] =	wrdreg s16  }
0xb6: {  	[dreg:$0x4] =	wrdreg $0x9  }
0xb7: {  	_ =	task.clear_ibuf [dreg:s7], $0x5FFFF;
	_ =	strace $0x90000046  }
0xb8: {  	s29 =	simm.s32 $0x9;
	_ =	strace $0x80000048  }
0xb9: {  	_ =	swait.ge [sflag:s29], $0x1  }
0xba: {  	[sflag:s29] =	ssyncadd.s32 $0xFFFFFFFF  }
0xbb: {  	_ =	strace $0x90000048  }
0xbc: {  	_ =	sfence  }
0xbd: {  	s30 =	sld [smem:$0x0];
	_ =	sdelay $0x2  }
0xbe: {  	s31 =	sshll.u32 s1, $0xD;
	s1 =	sshrl.u32 s1, $0x2  }
0xbf: {  	s3 =	sand.u32 $0x4000, s31;
	s1 =	sadd.s32 s1, s30  }
0xc0: {  	s0 =	sor.u32 s3, s0;
	s1 =	sshll.u32 s1, $0x11  }
0xc1: {  	s0 =	sor.u32 s1, s0  }
0xc2: {  	s0 =	sadd.s32 $0x8F2B, s0  }
0xc3: {  	[sflag:s0] =	ssyncadd.remote.s32 $0x1  }
0xc4: {  	_ =	sfence.sel $0xFFFF  }
0xc5: {  	[dreg:$0x0] =	wrdreg $0xFFFFFFFF;
	(pc) =	sbr.abs _section_cstart, $3  }
0xc6: {  	[dreg:$0x1] =	wrdreg $0xFFFFFFFF  }
0xc7: {  	_ =	task.clear_ibuf [dreg:s7], $0x2FFFF;
	_ =	strace $0x9FFFFFFF  }
0xc8: {  	(tm) =	ssettm $0x7FFFFFFF  }
0xc9: {  	_ =	shalt  }
tec
execute0_lowered:
.L_overlay_start_1:
0x0: {  	(tag) =	ssettag $0x1  }
0x1: {  	s4 =	rddreg [dreg:$0x0]  }
0x2: {  	s6 =	rddreg [dreg:$0x1]  }
0x3: {  	s0 =	rddreg [dreg:$0x2];
	s2 =	simm.s32 $0x0;
	s1 =	stileid.u32  }
0x4: {  	s3 =	srdreg.scid;
	[smem:$0x7FF] =	sst s2  }
0x5: {  	s5 =	sshll.u32 s1, $0x11;
	s7 =	sand.u32 $0x1, s3;
	s3 =	sadd.s32 $0x1400, s4  }
0x6: {  	s9 =	sshll.u32 s1, $0xD;
	_ =	strace $0x80000047;
	s5 =	sadd.s32 s5, s4  }
0x7: {  	s29 =	ssub.s32 $0x2, s7;
	s10 =	sshll.u32 s7, $0xC;
	s7 =	sshll.u32 s7, $0x10  }
0x8: {  	s8 =	sshrl.u32 s29, $0x1;
	s30 =	sor.u32 s10, s9;
	s5 =	sadd.s32 s7, s5  }
0x9: {  	s7 =	simm.s32 $0x2;
	s9 =	simm.s32 $0x1;
	s10 =	simm.s32 $0x0  }
0xa: {  	s4 =	ssub.s32 s29, s8;
	s31 =	sshrl.u32 s30, $0x3;
	s5 =	sadd.s32 $0x41400, s5  }
0xb: {  	s8 =	simm.s32 $0x200;
	s4 =	smax.u32 s4, $0x1;
	s6 =	sadd.s32 s31, s6  }
.LBB2_1:
0xc: {  	s11 =	sadd.s32 $0x0, s6  }
0xd: {  	[tilespmem:s2], [sflag:$0x2] =	stream.linear.gather [hbm4b:s11+s2], $0x200, $0x38;
	[tilespmem:$0x10200] =	vst v63  }
0xe: {  	_ =	swait.ge [sflag:s7], $0x200  }
0xf: {  	[sflag:s7] =	ssyncset.done $0x0  }
0x10: {  	[sflag:s7] =	ssyncadd.s32 $0xFFFFFE00  }
0x11: {  	[tilespmem:s8], [sflag:$0x1] =	stream.indirect.gather [hbm4b:s3+s8], $0x80, s2, s8, $0xb8;
	[tilespmem:$0x10200] =	vst v63  }
0x12: {  	_ =	swait.ge [sflag:s9], $0x10000  }
0x13: {  	[sflag:s9] =	ssyncset.done $0x0  }
0x14: {  	[sflag:s9] =	ssyncadd.s32 $0xFFFF0000  }
0x15: {  	[hbm4b:s5+s2] =	stream.linear.scatter [tilespmem:s8], [sflag:$0x2], $0x10000, $0x38;
	[tilespmem:$0x10200] =	vst v63  }
0x16: {  	s12 =	simm.s32 $0x40;
	_ =	swait.ge [sflag:s7], $0x10000  }
0x17: {  	s13 =	simm.s32 $0x80;
	s11 =	sadd.s32 $0x2000, s5;
	[sflag:s7] =	ssyncset.done $0x0  }
.LBB2_2:
0x18: {  	s14 =	sadd.s32 s12, s6  }
0x19: {  	[sflag:s7] =	ssyncadd.s32 $0xFFFF0000;
	s12 =	smov.u32 s13;
	s15 =	sadd.s32 $0x40, s13  }
0x1a: {  	[tilespmem:s2], [sflag:$0x2] =	stream.linear.gather [hbm4b:s14+s2], $0x200, $0x38;
	[tilespmem:$0x10200] =	vst v63  }
0x1b: {  	p0 =	sne.s32 s13, $0x1C0;
	_ =	swait.ge [sflag:s7], $0x200  }
0x1c: {  	[sflag:s7] =	ssyncset.done $0x0  }
0x1d: {  	[sflag:s7] =	ssyncadd.s32 $0xFFFFFE00  }
0x1e: {  	[tilespmem:s8], [sflag:$0x1] =	stream.indirect.gather [hbm4b:s3+s8], $0x80, s2, s8, $0xb8;
	[tilespmem:$0x10200] =	vst v63  }
0x1f: {  	_ =	swait.ge [sflag:s9], $0x10000  }
.Ltmp0:
0x20: {  	[sflag:s9] =	ssyncset.done $0x0;
	(pc) =	sbr.rel @p0 .LBB2_2-.Ltmp0, $4  }
0x21: {  	[sflag:s9] =	ssyncadd.s32 $0xFFFF0000  }
0x22: {  	[hbm4b:s11+s2] =	stream.linear.scatter [tilespmem:s8], [sflag:$0x2], $0x10000, $0x38;
	[tilespmem:$0x10200] =	vst v63  }
0x23: {  	_ =	swait.ge [sflag:s7], $0x10000  }
0x24: {  	s13 =	smov.u32 s15;
	s11 =	sadd.s32 $0x2000, s11;
	[sflag:s7] =	ssyncset.done $0x0  }
0x25: {  	s12 =	sadd.s32 s12, s6;
	[sflag:s7] =	ssyncadd.s32 $0xFFFF0000  }
0x26: {  	[tilespmem:s2], [sflag:$0x2] =	stream.linear.gather [hbm4b:s12+s2], $0x200, $0x38;
	[tilespmem:$0x10200] =	vst v63  }
0x27: {  	_ =	swait.ge [sflag:s7], $0x200  }
0x28: {  	[sflag:s7] =	ssyncset.done $0x0  }
0x29: {  	[sflag:s7] =	ssyncadd.s32 $0xFFFFFE00  }
0x2a: {  	[tilespmem:s8], [sflag:$0x1] =	stream.indirect.gather [hbm4b:s3+s8], $0x80, s2, s8, $0xb8;
	[tilespmem:$0x10200] =	vst v63  }
0x2b: {  	s10 =	sadd.s32 $0x1, s10;
	_ =	swait.ge [sflag:s9], $0x10000  }
0x2c: {  	p0 =	sne.s32 s10, s4;
	[sflag:s9] =	ssyncset.done $0x0  }
.Ltmp1:
0x2d: {  	[sflag:s9] =	ssyncadd.s32 $0xFFFF0000;
	(pc) =	sbr.rel @p0 .LBB2_1-.Ltmp1, $4  }
0x2e: {  	[hbm4b:s11+s2] =	stream.linear.scatter [tilespmem:s8], [sflag:$0x2], $0x10000, $0x38;
	[tilespmem:$0x10200] =	vst v63  }
0x2f: {  	_ =	swait.ge [sflag:s7], $0x10000  }
0x30: {  	[sflag:s7] =	ssyncset.done $0x0  }
0x31: {  	[sflag:s7] =	ssyncadd.s32 $0xFFFF0000  }
0x32: {  	_ =	sfence.sel $0x180000  }
0x33: {  	[bflag:$0x0] =	sbarrier.arrive $0xFFFF  }
0x34: {  	p0 =	sne.s32 s1, $0x0;
	_ =	strace $0x90000047  }
0x35: {  	s0 =	sadd.s32 @!p0 $0x100000, s0;
	[bflag:$0x2] =	sbarrier.arrive $0xFFFF  }
0x36: {  	[sflag:s0] =	ssyncadd.tile.s32 @!p0 $0x1;
	_ =	shalt  }
.Lfunc_end2:
_tile_overlayer_lowered:
.L_overlay_start_2:
0x37: {  	(tag) =	ssettag $0x2  }
0x38: {  	s0 =	rddreg [dreg:$0x0];
	s2 =	stileid.u32  }
0x39: {  	s1 =	rddreg [dreg:$0x1];
	p0 =	sne.s32 s2, $0x0  }
0x3a: {  	s3 =	rddreg [dreg:$0x2];
	[bflag:$0x3] =	sbarrier.arrive $0xFFFF;
	s2 =	simm.s32 @!p0 $0x1C02  }
0x3b: {  	[timem:s3], [sflag:s2] =	dma.local @!p0 [hbm:s0], s1  }
0x3c: {  	s0 =	simm.s32 @!p0 $0x2  }
0x3d: {  	_ =	swait.ge @!p0 [sflag:s0], s1  }
0x3e: {  	s1 =	ssub.s32 @!p0 $0x0, s1;
	[sflag:s0] =	ssyncset.done @!p0 $0x0  }
0x3f: {  	[sflag:s0] =	ssyncadd.s32 @!p0 s1  }
0x40: {  	[bflag:$0x3] =	sbarrier.arrive $0xFFFF  }
0x41: {  	_ =	shalt  }

</sc_bundles>
